<compile_context>
chip_gen: v7x
topology: tpu7x:2x2x1
jax: 0.10.2.dev20260603
libtpu: 0.0.44.dev20260713+nightly
codegen_flags: <defaults>
</compile_context>

<pallas_src>
import functools

import jax
import jax.numpy as jnp
from jax import lax
from jax.experimental import pallas as pl
from jax.experimental.pallas import tpu as pltpu
from jax.experimental.pallas import tpu_sc as plsc

_N = 500000
_D = 128
_NSP = 64

_BN = 16384


def _tc_body(x_ref, w_ref, o_ref):
    acc = jax.lax.dot_general(
        w_ref[...], x_ref[...], (((1,), (1,)), ((), ())),
        preferred_element_type=jnp.float32)
    o_ref[...] = jnp.reshape(acc, (_BN,))


def _tc_matvec(x, wrow):
    return pl.pallas_call(
        _tc_body,
        grid=(pl.cdiv(_N, _BN),),
        in_specs=[
            pl.BlockSpec((_BN, _D), lambda i: (i, 0)),
            pl.BlockSpec((1, _D), lambda i: (0, 0)),
        ],
        out_specs=pl.BlockSpec((_BN,), lambda i: (i,)),
        out_shape=jax.ShapeDtypeStruct((_N,), jnp.float32),
    )(x, wrow)


_BA = _N


def _add_body(a_ref, b_ref, o_ref):
    o_ref[...] = a_ref[...] + b_ref[...]


def _tc_add(a, b):
    return pl.pallas_call(
        _add_body,
        grid=(pl.cdiv(_N, _BA),),
        in_specs=[
            pl.BlockSpec((_BA,), lambda i: (i,)),
            pl.BlockSpec((_BA,), lambda i: (i,)),
        ],
        out_specs=pl.BlockSpec((_BA,), lambda i: (i,)),
        out_shape=jax.ShapeDtypeStruct((_N,), jnp.float32),
    )(a, b)


_NC = 2
_NS = 16
_NW = _NC * _NS
_LANES = 16
_NPW = 15616
_TAIL_BASE = _NW * _NPW
_TAIL = _N - _TAIL_BASE


def _sc_gather_body(species_hbm, table_hbm, out_hbm, idx_v, val_v, tab_v):
    wid = lax.axis_index("s") * _NC + lax.axis_index("c")
    pltpu.sync_copy(table_hbm, tab_v)

    def run(base, n):
        pltpu.sync_copy(species_hbm.at[pl.ds(base, n)], idx_v.at[pl.ds(0, n)])

        @plsc.parallel_loop(0, n // _LANES, unroll=8)
        def _(i):
            sl = pl.ds(i * _LANES, _LANES)
            val_v[sl] = plsc.load_gather(tab_v, [idx_v[sl]])

        pltpu.sync_copy(val_v.at[pl.ds(0, n)], out_hbm.at[pl.ds(base, n)])

    run(wid * _NPW, _NPW)

    @pl.when(wid == 0)
    def _tail():
        run(_TAIL_BASE, _TAIL)


@functools.cache
def _sc_gather():
    return pl.kernel(
        _sc_gather_body,
        out_type=jax.ShapeDtypeStruct((_N,), jnp.float32),
        mesh=plsc.VectorSubcoreMesh(
            core_axis_name="c", subcore_axis_name="s",
            num_cores=_NC, num_subcores=_NS),
        scratch_types=[
            pltpu.VMEM((_NPW,), jnp.int32),
            pltpu.VMEM((_NPW,), jnp.float32),
            pltpu.VMEM((_NSP,), jnp.float32),
        ],
        compiler_params=pltpu.CompilerParams(needs_layout_passes=False),
    )


def kernel(x, central_species, W, self_contributions):
    contrib = _sc_gather()(central_species, self_contributions)
    pred = _tc_matvec(x, W.reshape(1, _D))
    return _tc_add(pred, contrib)[:, None]

# --- scband reference (transcript-rebuilt; emitter-appended) ---
"""Pipeline reference for scband-self-contributions-wrapper-84310208021027 (READ-ONLY COPY).

The authoritative reference and input builder live on the scoring server;
editing this copy changes nothing except your own understanding.
"""

import jax, jax.numpy as jnp
import numpy as np

N = 500000
D = 128
N_SPECIES = 64


def setup_inputs(seed: int = 0) -> dict:
    key = jax.random.key(seed)
    k1, k2, k3 = jax.random.split(key, 3)
    x = jax.random.normal(k1, (N, D), dtype=jnp.float32)
    central_species = jax.random.randint(k2, (N,), 0, N_SPECIES, dtype=jnp.int32)
    # Inner model: simple atomic (per-node) energy head with D_OUTPUT = 1
    W = jax.random.normal(k3, (D, 1), dtype=jnp.float32) * 0.02
    # Buffer registered in __init__: per-species self-contribution energies
    self_contributions = jnp.arange(N_SPECIES, dtype=jnp.float32) * 0.3 - 10.0
    return {
        "x": x,
        "central_species": central_species,
        "W": W,
        "self_contributions": self_contributions,
    }


def reference(x, central_species, W, self_contributions):
    # predictions = self.model(batch_dict)  -- atomic target type, D_OUTPUT = 1
    predictions = x @ W  # [N, 1]
    # self_contribution_energies = self.self_contributions[central_species][:, None]
    self_contribution_energies = jnp.take(self_contributions, central_species, axis=0)[:, None]
    # TARGET_TYPE == 'atomic': no global_add_pool, just elementwise add
    return predictions + self_contribution_energies

if __name__ == "__main__":
    import jax
    _d = setup_inputs()
    print(jax.jit(kernel)(*tuple(_d.values())))

</pallas_src>

<mosaic_0001>
#map = affine_map<(d0, d1) -> (0)>
module attributes {stable_mosaic.version = 14 : i64} {
  func.func @_sc_gather_body(%arg0: i32, %arg1: i32, %arg2: memref<500000xi32, #tpu.memory_space<hbm>>, %arg3: memref<64xf32, #tpu.memory_space<hbm>>, %arg4: memref<500000xf32, #tpu.memory_space<hbm>>, %arg5: memref<15616xi32, #tpu.memory_space<vmem>>, %arg6: memref<15616xf32, #tpu.memory_space<vmem>>, %arg7: memref<64xf32, #tpu.memory_space<vmem>>) attributes {dimension_semantics = [#tpu.dimension_semantics<core_parallel>, #tpu.dimension_semantics<subcore_parallel>], iteration_bounds = array<i64: 2, 16>, scalar_prefetch = 0 : i64, scratch_operands = 3 : i64, tpu.core_type = #tpu.core_type<sc_vector_subcore>, window_params = [{transform_indices = #map}, {transform_indices = #map}, {transform_indices = #map}]} {
    %mul3A = arith.constant 2 : i32
    %mul3A_0 = arith.muli %arg1, %mul3A : i32
    %add3A = arith.addi %mul3A_0, %arg0 : i32
    "tpu.region"() ({
      %run_scoped3A = tpu.sem_alloc : memref<!tpu.dma_semaphore, #tpu.memory_space<semaphore_mem>>
      tpu.enqueue_dma source(%arg3 : memref<64xf32, #tpu.memory_space<hbm>>) target(%arg7 : memref<64xf32, #tpu.memory_space<vmem>>) target_semaphore(%run_scoped3A : memref<!tpu.dma_semaphore, #tpu.memory_space<semaphore_mem>>)
      tpu.wait_dma2 semaphore(%run_scoped3A : memref<!tpu.dma_semaphore, #tpu.memory_space<semaphore_mem>>) src(%arg3 : memref<64xf32, #tpu.memory_space<hbm>>) dst(%arg7 : memref<64xf32, #tpu.memory_space<vmem>>)
      tpu.yield
    }) : () -> ()
    %mul3A_1 = arith.constant 15616 : i32
    %mul3A_2 = arith.muli %add3A, %mul3A_1 : i32
    "tpu.region"() ({
      %run_scoped3A = tpu.sem_alloc : memref<!tpu.dma_semaphore, #tpu.memory_space<semaphore_mem>>
      %dma_start3A = arith.constant 0 : i32
      %dma_start3A_7 = tpu.memref_slice %arg5[%dma_start3A] : memref<15616xi32, #tpu.memory_space<vmem>> -> memref<15616xi32, #tpu.memory_space<vmem>>
      %dma_start3A_8 = tpu.memref_slice %arg2[%mul3A_2] : memref<500000xi32, #tpu.memory_space<hbm>> -> memref<15616xi32, #tpu.memory_space<hbm>>
      %dma_start3A_9 = arith.constant 0 : i32
      %dma_start3A_10 = tpu.memref_slice %arg5[%dma_start3A_9] : memref<15616xi32, #tpu.memory_space<vmem>> -> memref<15616xi32, #tpu.memory_space<vmem>>
      %dma_start3A_11 = tpu.memref_slice %arg2[%mul3A_2] : memref<500000xi32, #tpu.memory_space<hbm>> -> memref<15616xi32, #tpu.memory_space<hbm>>
      tpu.enqueue_dma source(%dma_start3A_11 : memref<15616xi32, #tpu.memory_space<hbm>>) target(%dma_start3A_10 : memref<15616xi32, #tpu.memory_space<vmem>>) target_semaphore(%run_scoped3A : memref<!tpu.dma_semaphore, #tpu.memory_space<semaphore_mem>>)
      %dma_wait3A = arith.constant 0 : i32
      %dma_wait3A_12 = tpu.memref_slice %arg5[%dma_wait3A] : memref<15616xi32, #tpu.memory_space<vmem>> -> memref<15616xi32, #tpu.memory_space<vmem>>
      %dma_wait3A_13 = tpu.memref_slice %arg2[%mul3A_2] : memref<500000xi32, #tpu.memory_space<hbm>> -> memref<15616xi32, #tpu.memory_space<hbm>>
      %dma_wait3A_14 = arith.constant 0 : i32
      %dma_wait3A_15 = tpu.memref_slice %arg5[%dma_wait3A_14] : memref<15616xi32, #tpu.memory_space<vmem>> -> memref<15616xi32, #tpu.memory_space<vmem>>
      %dma_wait3A_16 = tpu.memref_slice %arg2[%mul3A_2] : memref<500000xi32, #tpu.memory_space<hbm>> -> memref<15616xi32, #tpu.memory_space<hbm>>
      tpu.wait_dma2 semaphore(%run_scoped3A : memref<!tpu.dma_semaphore, #tpu.memory_space<semaphore_mem>>) src(%dma_wait3A_16 : memref<15616xi32, #tpu.memory_space<hbm>>) dst(%dma_wait3A_15 : memref<15616xi32, #tpu.memory_space<vmem>>)
      tpu.yield
    }) : () -> ()
    %parallel_loop3A = arith.constant 0 : i32
    %parallel_loop3A_3 = arith.constant 976 : i32
    %parallel_loop3A_4 = arith.constant 1 : i32
    scf.for %parallel_loop3A_7 = %parallel_loop3A to %parallel_loop3A_3 step %parallel_loop3A_4  : i32 {
      %parallel_loop3A_8 = arith.constant 16 : i32
      %parallel_loop3A_9 = arith.muli %parallel_loop3A_7, %parallel_loop3A_8 : i32
      %parallel_loop3A_10 = arith.index_cast %parallel_loop3A_9 : i32 to index
      %parallel_loop3A_11 = tpu.vector_load %arg5[%parallel_loop3A_10] {strides = array<i32>} : memref<15616xi32, #tpu.memory_space<vmem>>, vector<16xi32>,
      %parallel_loop3A_12 = tpu.vector_load_idx %arg7[%parallel_loop3A_11] : memref<64xf32, #tpu.memory_space<vmem>>[vector<16xi32>], vector<16xf32>,
      %parallel_loop3A_13 = arith.index_cast %parallel_loop3A_9 : i32 to index
      %parallel_loop3A_14 = tpu.vector_load %arg6[%parallel_loop3A_13] {strides = array<i32>} : memref<15616xf32, #tpu.memory_space<vmem>>, vector<16xf32>,
      tpu.vector_store %arg6[%parallel_loop3A_13], %parallel_loop3A_12 {strides = array<i32>} : memref<15616xf32, #tpu.memory_space<vmem>>, vector<16xf32>,
    } {sc.loop_unroll_factor = 8 : i64, sc.parallel_access}
    "tpu.region"() ({
      %run_scoped3A = tpu.sem_alloc : memref<!tpu.dma_semaphore, #tpu.memory_space<semaphore_mem>>
      %dma_start3A = arith.constant 0 : i32
      %dma_start3A_7 = tpu.memref_slice %arg6[%dma_start3A] : memref<15616xf32, #tpu.memory_space<vmem>> -> memref<15616xf32, #tpu.memory_space<vmem>>
      %dma_start3A_8 = tpu.memref_slice %arg4[%mul3A_2] : memref<500000xf32, #tpu.memory_space<hbm>> -> memref<15616xf32, #tpu.memory_space<hbm>>
      %dma_start3A_9 = tpu.memref_slice %arg4[%mul3A_2] : memref<500000xf32, #tpu.memory_space<hbm>> -> memref<15616xf32, #tpu.memory_space<hbm>>
      %dma_start3A_10 = arith.constant 0 : i32
      %dma_start3A_11 = tpu.memref_slice %arg6[%dma_start3A_10] : memref<15616xf32, #tpu.memory_space<vmem>> -> memref<15616xf32, #tpu.memory_space<vmem>>
      tpu.enqueue_dma source(%dma_start3A_11 : memref<15616xf32, #tpu.memory_space<vmem>>) target(%dma_start3A_9 : memref<15616xf32, #tpu.memory_space<hbm>>) target_semaphore(%run_scoped3A : memref<!tpu.dma_semaphore, #tpu.memory_space<semaphore_mem>>)
      %dma_wait3A = arith.constant 0 : i32
      %dma_wait3A_12 = tpu.memref_slice %arg6[%dma_wait3A] : memref<15616xf32, #tpu.memory_space<vmem>> -> memref<15616xf32, #tpu.memory_space<vmem>>
      %dma_wait3A_13 = tpu.memref_slice %arg4[%mul3A_2] : memref<500000xf32, #tpu.memory_space<hbm>> -> memref<15616xf32, #tpu.memory_space<hbm>>
      %dma_wait3A_14 = tpu.memref_slice %arg4[%mul3A_2] : memref<500000xf32, #tpu.memory_space<hbm>> -> memref<15616xf32, #tpu.memory_space<hbm>>
      %dma_wait3A_15 = arith.constant 0 : i32
      %dma_wait3A_16 = tpu.memref_slice %arg6[%dma_wait3A_15] : memref<15616xf32, #tpu.memory_space<vmem>> -> memref<15616xf32, #tpu.memory_space<vmem>>
      tpu.wait_dma2 semaphore(%run_scoped3A : memref<!tpu.dma_semaphore, #tpu.memory_space<semaphore_mem>>) src(%dma_wait3A_16 : memref<15616xf32, #tpu.memory_space<vmem>>) dst(%dma_wait3A_14 : memref<15616xf32, #tpu.memory_space<hbm>>)
      tpu.yield
    }) : () -> ()
    %eq3A = arith.constant 0 : i32
    %eq3A_5 = arith.cmpi eq, %add3A, %eq3A : i32
    %convert_element_type3A = arith.extui %eq3A_5 : i1 to i32
    %cond3A = arith.constant 0 : i32
    %cond3A_6 = arith.cmpi ne, %convert_element_type3A, %cond3A : i32
    scf.if %cond3A_6 {
      "tpu.region"() ({
        %run_scoped3A = tpu.sem_alloc : memref<!tpu.dma_semaphore, #tpu.memory_space<semaphore_mem>>
        %dma_start3A = arith.constant 0 : i32
        %dma_start3A_10 = tpu.memref_slice %arg5[%dma_start3A] : memref<15616xi32, #tpu.memory_space<vmem>> -> memref<288xi32, #tpu.memory_space<vmem>>
        %dma_start3A_11 = arith.constant 499712 : i32
        %dma_start3A_12 = tpu.memref_slice %arg2[%dma_start3A_11] : memref<500000xi32, #tpu.memory_space<hbm>> -> memref<288xi32, #tpu.memory_space<hbm>>
        %dma_start3A_13 = arith.constant 0 : i32
        %dma_start3A_14 = tpu.memref_slice %arg5[%dma_start3A_13] : memref<15616xi32, #tpu.memory_space<vmem>> -> memref<288xi32, #tpu.memory_space<vmem>>
        %dma_start3A_15 = arith.constant 499712 : i32
        %dma_start3A_16 = tpu.memref_slice %arg2[%dma_start3A_15] : memref<500000xi32, #tpu.memory_space<hbm>> -> memref<288xi32, #tpu.memory_space<hbm>>
        tpu.enqueue_dma source(%dma_start3A_16 : memref<288xi32, #tpu.memory_space<hbm>>) target(%dma_start3A_14 : memref<288xi32, #tpu.memory_space<vmem>>) target_semaphore(%run_scoped3A : memref<!tpu.dma_semaphore, #tpu.memory_space<semaphore_mem>>)
        %dma_wait3A = arith.constant 0 : i32
        %dma_wait3A_17 = tpu.memref_slice %arg5[%dma_wait3A] : memref<15616xi32, #tpu.memory_space<vmem>> -> memref<288xi32, #tpu.memory_space<vmem>>
        %dma_wait3A_18 = arith.constant 499712 : i32
        %dma_wait3A_19 = tpu.memref_slice %arg2[%dma_wait3A_18] : memref<500000xi32, #tpu.memory_space<hbm>> -> memref<288xi32, #tpu.memory_space<hbm>>
        %dma_wait3A_20 = arith.constant 0 : i32
        %dma_wait3A_21 = tpu.memref_slice %arg5[%dma_wait3A_20] : memref<15616xi32, #tpu.memory_space<vmem>> -> memref<288xi32, #tpu.memory_space<vmem>>
        %dma_wait3A_22 = arith.constant 499712 : i32
        %dma_wait3A_23 = tpu.memref_slice %arg2[%dma_wait3A_22] : memref<500000xi32, #tpu.memory_space<hbm>> -> memref<288xi32, #tpu.memory_space<hbm>>
        tpu.wait_dma2 semaphore(%run_scoped3A : memref<!tpu.dma_semaphore, #tpu.memory_space<semaphore_mem>>) src(%dma_wait3A_23 : memref<288xi32, #tpu.memory_space<hbm>>) dst(%dma_wait3A_21 : memref<288xi32, #tpu.memory_space<vmem>>)
        tpu.yield
      }) : () -> ()
      %parallel_loop3A_7 = arith.constant 0 : i32
      %parallel_loop3A_8 = arith.constant 18 : i32
      %parallel_loop3A_9 = arith.constant 1 : i32
      scf.for %parallel_loop3A_10 = %parallel_loop3A_7 to %parallel_loop3A_8 step %parallel_loop3A_9  : i32 {
        %parallel_loop3A_11 = arith.constant 16 : i32
        %parallel_loop3A_12 = arith.muli %parallel_loop3A_10, %parallel_loop3A_11 : i32
        %parallel_loop3A_13 = arith.index_cast %parallel_loop3A_12 : i32 to index
        %parallel_loop3A_14 = tpu.vector_load %arg5[%parallel_loop3A_13] {strides = array<i32>} : memref<15616xi32, #tpu.memory_space<vmem>>, vector<16xi32>,
        %parallel_loop3A_15 = tpu.vector_load_idx %arg7[%parallel_loop3A_14] : memref<64xf32, #tpu.memory_space<vmem>>[vector<16xi32>], vector<16xf32>,
        %parallel_loop3A_16 = arith.index_cast %parallel_loop3A_12 : i32 to index
        %parallel_loop3A_17 = tpu.vector_load %arg6[%parallel_loop3A_16] {strides = array<i32>} : memref<15616xf32, #tpu.memory_space<vmem>>, vector<16xf32>,
        tpu.vector_store %arg6[%parallel_loop3A_16], %parallel_loop3A_15 {strides = array<i32>} : memref<15616xf32, #tpu.memory_space<vmem>>, vector<16xf32>,
      } {sc.loop_unroll_factor = 8 : i64, sc.parallel_access}
      "tpu.region"() ({
        %run_scoped3A = tpu.sem_alloc : memref<!tpu.dma_semaphore, #tpu.memory_space<semaphore_mem>>
        %dma_start3A = arith.constant 0 : i32
        %dma_start3A_10 = tpu.memref_slice %arg6[%dma_start3A] : memref<15616xf32, #tpu.memory_space<vmem>> -> memref<288xf32, #tpu.memory_space<vmem>>
        %dma_start3A_11 = arith.constant 499712 : i32
        %dma_start3A_12 = tpu.memref_slice %arg4[%dma_start3A_11] : memref<500000xf32, #tpu.memory_space<hbm>> -> memref<288xf32, #tpu.memory_space<hbm>>
        %dma_start3A_13 = arith.constant 499712 : i32
        %dma_start3A_14 = tpu.memref_slice %arg4[%dma_start3A_13] : memref<500000xf32, #tpu.memory_space<hbm>> -> memref<288xf32, #tpu.memory_space<hbm>>
        %dma_start3A_15 = arith.constant 0 : i32
        %dma_start3A_16 = tpu.memref_slice %arg6[%dma_start3A_15] : memref<15616xf32, #tpu.memory_space<vmem>> -> memref<288xf32, #tpu.memory_space<vmem>>
        tpu.enqueue_dma source(%dma_start3A_16 : memref<288xf32, #tpu.memory_space<vmem>>) target(%dma_start3A_14 : memref<288xf32, #tpu.memory_space<hbm>>) target_semaphore(%run_scoped3A : memref<!tpu.dma_semaphore, #tpu.memory_space<semaphore_mem>>)
        %dma_wait3A = arith.constant 0 : i32
        %dma_wait3A_17 = tpu.memref_slice %arg6[%dma_wait3A] : memref<15616xf32, #tpu.memory_space<vmem>> -> memref<288xf32, #tpu.memory_space<vmem>>
        %dma_wait3A_18 = arith.constant 499712 : i32
        %dma_wait3A_19 = tpu.memref_slice %arg4[%dma_wait3A_18] : memref<500000xf32, #tpu.memory_space<hbm>> -> memref<288xf32, #tpu.memory_space<hbm>>
        %dma_wait3A_20 = arith.constant 499712 : i32
        %dma_wait3A_21 = tpu.memref_slice %arg4[%dma_wait3A_20] : memref<500000xf32, #tpu.memory_space<hbm>> -> memref<288xf32, #tpu.memory_space<hbm>>
        %dma_wait3A_22 = arith.constant 0 : i32
        %dma_wait3A_23 = tpu.memref_slice %arg6[%dma_wait3A_22] : memref<15616xf32, #tpu.memory_space<vmem>> -> memref<288xf32, #tpu.memory_space<vmem>>
        tpu.wait_dma2 semaphore(%run_scoped3A : memref<!tpu.dma_semaphore, #tpu.memory_space<semaphore_mem>>) src(%dma_wait3A_23 : memref<288xf32, #tpu.memory_space<vmem>>) dst(%dma_wait3A_21 : memref<288xf32, #tpu.memory_space<hbm>>)
        tpu.yield
      }) : () -> ()
    } else {
    }
    return
  }
}

module attributes {stable_mosaic.version = 14 : i64} {
  func.func @_tc_body(%arg0: i32, %arg1: memref<16384x128xf32, #tpu.memory_space<vmem>>, %arg2: memref<1x128xf32, #tpu.memory_space<vmem>>, %arg3: memref<16384xf32, #tpu.memory_space<vmem>>) attributes {dimension_semantics = [#tpu.dimension_semantics<arbitrary>], iteration_bounds = array<i64: 31>, scalar_prefetch = 0 : i64, scratch_operands = 0 : i64, tpu.core_type = #tpu.core_type<tc>, window_params = [{transform_indices = @transform_0, window_bounds = array<i64: 16384, 128>}, {pipeline_mode = #tpu.pipeline_mode<synchronous>, transform_indices = @transform_1, window_bounds = array<i64: 1, 128>}, {transform_indices = @transform_2, window_bounds = array<i64: 16384>}]} {
    %get3A = arith.constant 0 : index
    %get3A_0 = arith.constant 0 : index
    %get3A_1 = vector.load %arg2[%get3A, %get3A_0] : memref<1x128xf32, #tpu.memory_space<vmem>>, vector<1x128xf32>
    %get3A_2 = arith.constant 0 : index
    %get3A_3 = arith.constant 0 : index
    %get3A_4 = vector.load %arg1[%get3A_2, %get3A_3] : memref<16384x128xf32, #tpu.memory_space<vmem>>, vector<16384x128xf32>
    %dot_general3A = arith.constant dense<0.000000e+00> : vector<1x16384xf32>
    %dot_general3A_5 = tpu.matmul %get3A_1, %get3A_4, %dot_general3A {dimension_numbers = #tpu.dot_dimension_numbers<[1], [1], [0], [0], [0, 0, 1, 0], [], []>, transpose_lhs_hint = false} : vector<1x128xf32>, vector<16384x128xf32>, vector<1x16384xf32> -> vector<1x16384xf32>
    %reshape3A = vector.shape_cast %dot_general3A_5 : vector<1x16384xf32> to vector<16384xf32>
    %swap3A = arith.constant 0 : index
    %swap3A_6 = vector.load %arg3[%swap3A] : memref<16384xf32, #tpu.memory_space<vmem>>, vector<16384xf32>
    tpu.vector_store %arg3[%swap3A], %reshape3A {strides = array<i32>} : memref<16384xf32, #tpu.memory_space<vmem>>, vector<16384xf32>,
    return
  }
  func.func @transform_0(%arg0: i32) -> (i32, i32) {
    %c0_i32 = arith.constant 0 : i32
    %c0_i32_0 = arith.constant 0 : i32
    return %arg0, %c0_i32 : i32, i32
  }
  func.func @transform_1(%arg0: i32) -> (i32, i32) {
    %c0_i32 = arith.constant 0 : i32
    %c0_i32_0 = arith.constant 0 : i32
    %c0_i32_1 = arith.constant 0 : i32
    return %c0_i32, %c0_i32_0 : i32, i32
  }
  func.func @transform_2(%arg0: i32) -> i32 {
    %c0_i32 = arith.constant 0 : i32
    return %arg0 : i32
  }
}

module attributes {stable_mosaic.version = 14 : i64} {
  func.func @_add_body(%arg0: i32, %arg1: memref<500000xf32, #tpu.memory_space<vmem>>, %arg2: memref<500000xf32, #tpu.memory_space<vmem>>, %arg3: memref<500000xf32, #tpu.memory_space<vmem>>) attributes {dimension_semantics = [#tpu.dimension_semantics<arbitrary>], iteration_bounds = array<i64: 1>, scalar_prefetch = 0 : i64, scratch_operands = 0 : i64, tpu.core_type = #tpu.core_type<tc>, window_params = [{transform_indices = @transform_0, window_bounds = array<i64: 500000>}, {transform_indices = @transform_1, window_bounds = array<i64: 500000>}, {transform_indices = @transform_2, window_bounds = array<i64: 500000>}]} {
    %get3A = arith.constant 0 : index
    %get3A_0 = vector.load %arg1[%get3A] : memref<500000xf32, #tpu.memory_space<vmem>>, vector<500000xf32>
    %get3A_1 = arith.constant 0 : index
    %get3A_2 = vector.load %arg2[%get3A_1] : memref<500000xf32, #tpu.memory_space<vmem>>, vector<500000xf32>
    %add3A = arith.addf %get3A_0, %get3A_2 : vector<500000xf32>
    %swap3A = arith.constant 0 : index
    %swap3A_3 = vector.load %arg3[%swap3A] : memref<500000xf32, #tpu.memory_space<vmem>>, vector<500000xf32>
    tpu.vector_store %arg3[%swap3A], %add3A {strides = array<i32>} : memref<500000xf32, #tpu.memory_space<vmem>>, vector<500000xf32>,
    return
  }
  func.func @transform_0(%arg0: i32) -> i32 {
    %c0_i32 = arith.constant 0 : i32
    return %arg0 : i32
  }
  func.func @transform_1(%arg0: i32) -> i32 {
    %c0_i32 = arith.constant 0 : i32
    return %arg0 : i32
  }
  func.func @transform_2(%arg0: i32) -> i32 {
    %c0_i32 = arith.constant 0 : i32
    return %arg0 : i32
  }
}

</mosaic_0001>

<sc_bundles>
// kernel: kernel.5.cloned.1.call-start
scs
__scs_entry_jumppad:
0x0: {  	(pc) =	sbr.rel $0x88, $3  }
0x1: {  	(tag) =	ssettag $0x0;
	lr =	simm.s32 $0x1  }
0x2: {  	[smem:$0x3F9D] =	sst lr;
	_ =	strace $0xD0000000  }
0x3: {  	_ = 	snop  }
0x4: {  	_ = 	snop  }
0x5: {  	_ = 	snop  }
0x6: {  	_ = 	snop  }
0x7: {  	_ = 	snop  }
__scs_overlays_trampoline_lowered:
0x8: {  	[smem:$0x3FAC] =	sst s0  }
0x9: {  	[smem:$0x3FAD] =	sst s1  }
0xa: {  	[smem:$0x3FAE] =	sst s2  }
0xb: {  	[smem:$0x3FAF] =	sst s3  }
0xc: {  	[smem:$0x3FB0] =	sst s4  }
0xd: {  	[smem:$0x3FB1] =	sst s5  }
0xe: {  	[smem:$0x3FB2] =	sst s6  }
0xf: {  	[smem:$0x3FB3] =	sst s7  }
0x10: {  	[smem:$0x3FB4] =	sst s8  }
0x11: {  	[smem:$0x3FB5] =	sst s9;
	s0 =	simm.s32 @!p0 $0x0  }
0x12: {  	s1 =	sld [smem:$0x3F9B];
	s0 =	simm.s32 @p0 $0x1  }
0x13: {  	[smem:$0x3FB6] =	sst s0;
	s0 =	simm.s32 @!p1 $0x0  }
0x14: {  	s2 =	sld [smem:$0x3F9A];
	s0 =	simm.s32 @p1 $0x1  }
0x15: {  	[smem:$0x3FB7] =	sst s0;
	s0 =	simm.s32 @!p2 $0x0  }
0x16: {  	s3 =	sld [smem:$0x3FDB];
	s0 =	simm.s32 @p2 $0x1  }
0x17: {  	s4 =	simm.s32 $0x1BF5;
	[smem:$0x3FB9] =	sst s0  }
0x18: {  	s0 =	sld [smem:$0x3F9C];
	_ =	swait.ge [sflag:s4], $0x0  }
0x19: {  	s7 =	sld [smem:$0x3F9D]  }
0x1a: {  	s8 =	sadd.s32 $0xFFFFE003, lr  }
0x1b: {  	s9 =	sadd.s32 $0xFFFFFEF7, lr;
	s5 =	simm.s32 $0xFFFFFFFF;
	p2 =	slt.u32 s8, $0xFFFFF086  }
0x1c: {  	p1 =	slt.u32 s9, $0xF7A;
	s5 =	simm.s32 @!p2 $0x0  }
0x1d: {  	s5 =	simm.s32 @p1 $0x1;
	p0 =	seq.s32 s7, s2  }
0x1e: {  	s7 =	smul.u32 @!p0 $0xF7A, s2;
	p2 =	seq.s32 @!p0 s5, $0x0  }
0x1f: {  	s9 =	smul.u32 $0xF7A, s1;
	s8 =	simm.s32 @!p0 $0x1BF5;
	p2 =	por !p2, p0  }
0x20: {  	[sflag:s8] =	ssyncset.s32 @!p0 $0xFFFFF086;
	s6 =	sadd.s32 @!p0 s3, s7;
	s7 =	simm.s32 @!p0 $0x108  }
0x21: {  	s3 =	sadd.s32 s3, s9;
	s6 =	sadd.s32 @!p0 $0x88, s6;
	s7 =	simm.s32 @p2 $0x1082  }
0x22: {  	[simem:s7], [sflag:s8] =	dma.local @!p0 [hbm:s6], $0xF7A  }
0x23: {  	s9 =	sor.u32 $0xD0000000, s2;
	s6 =	simm.s32 $0x108;
	_ =	swait.ge @!p0 [sflag:s8], $0x0  }
0x24: {  	s3 =	sadd.s32 $0x88, s3;
	s6 =	simm.s32 @!p1 $0x1082;
	[sflag:s4] =	ssyncset.s32 $0xFFFFF086  }
0x25: {  	[simem:s6], [sflag:s4] =	dma.local [hbm:s3], $0xF7A  }
0x26: {  	[smem:$0x3F9D] =	sst s1;
	(tag) =	ssettag s2;
	_ =	strace s9  }
0x27: {  	s1 =	sld [smem:$0x3FAD]  }
0x28: {  	s2 =	sld [smem:$0x3FAE]  }
0x29: {  	s4 =	sld [smem:$0x3FB0]  }
0x2a: {  	p0 =	seq.s32 s5, $0x0;
	s5 =	sld [smem:$0x3FB1]  }
0x2b: {  	s6 =	sld [smem:$0x3FB2]  }
0x2c: {  	s7 =	sld [smem:$0x3FB3]  }
0x2d: {  	s3 =	simm.s32 $0x108;
	s8 =	sld [smem:$0x3FB4]  }
0x2e: {  	s3 =	simm.s32 @!p0 $0x1082;
	s9 =	sld [smem:$0x3FB5]  }
0x2f: {  	lr =	sadd.s32 s0, s3;
	s0 =	sld [smem:$0x3FAC]  }
0x30: {  	s3 =	sld [smem:$0x3FAF]  }
0x31: {  	[smem:$0x3FB8] =	sst s10  }
0x32: {  	s10 =	sld [smem:$0x3FB6];
	_ =	sdelay $0x3  }
0x33: {  	p0 =	seq.s32 s10, $0x1;
	s10 =	sld [smem:$0x3FB8];
	_ =	sdelay $0x3  }
0x34: {  	[smem:$0x3FB8] =	sst s10  }
0x35: {  	s10 =	sld [smem:$0x3FB7];
	_ =	sdelay $0x3  }
0x36: {  	p1 =	seq.s32 s10, $0x1;
	s10 =	sld [smem:$0x3FB8];
	_ =	sdelay $0x3  }
0x37: {  	[smem:$0x3FB8] =	sst s10  }
0x38: {  	s10 =	sld [smem:$0x3FB9]  }
0x39: {  	_ = 	snop;
	(pc) =	sbr.ind lr, $3  }
0x3a: {  	_ = 	snop  }
0x3b: {  	_ = 	snop  }
0x3c: {  	p2 =	seq.s32 s10, $0x1;
	s10 =	sld [smem:$0x3FB8]  }
0x3d: {  	_ =	shalt  }
0x3e: {  	_ =	shalt  }
0x3f: {  	_ =	shalt  }
0x40: {  	_ =	shalt  }
0x41: {  	_ =	shalt  }
0x42: {  	_ =	shalt  }
0x43: {  	_ =	shalt  }
0x44: {  	_ =	shalt  }
0x45: {  	_ =	shalt  }
0x46: {  	_ =	shalt  }
0x47: {  	_ =	shalt  }
0x48: {  	_ =	shalt  }
0x49: {  	_ =	shalt  }
0x4a: {  	_ =	shalt  }
0x4b: {  	_ =	shalt  }
0x4c: {  	_ =	shalt  }
0x4d: {  	_ =	shalt  }
0x4e: {  	_ =	shalt  }
0x4f: {  	_ =	shalt  }
0x50: {  	_ =	shalt  }
0x51: {  	_ =	shalt  }
0x52: {  	_ =	shalt  }
0x53: {  	_ =	shalt  }
0x54: {  	_ =	shalt  }
0x55: {  	_ =	shalt  }
0x56: {  	_ =	shalt  }
0x57: {  	_ =	shalt  }
0x58: {  	_ =	shalt  }
0x59: {  	_ =	shalt  }
0x5a: {  	_ =	shalt  }
0x5b: {  	_ =	shalt  }
0x5c: {  	_ =	shalt  }
0x5d: {  	_ =	shalt  }
0x5e: {  	_ =	shalt  }
0x5f: {  	_ =	shalt  }
0x60: {  	_ =	shalt  }
0x61: {  	_ =	shalt  }
0x62: {  	_ =	shalt  }
0x63: {  	_ =	shalt  }
0x64: {  	_ =	shalt  }
0x65: {  	_ =	shalt  }
0x66: {  	_ =	shalt  }
0x67: {  	_ =	shalt  }
0x68: {  	_ =	shalt  }
0x69: {  	_ =	shalt  }
0x6a: {  	_ =	shalt  }
0x6b: {  	_ =	shalt  }
0x6c: {  	_ =	shalt  }
0x6d: {  	_ =	shalt  }
0x6e: {  	_ =	shalt  }
0x6f: {  	_ =	shalt  }
0x70: {  	_ =	shalt  }
0x71: {  	_ =	shalt  }
0x72: {  	_ =	shalt  }
0x73: {  	_ =	shalt  }
0x74: {  	_ =	shalt  }
0x75: {  	_ =	shalt  }
0x76: {  	_ =	shalt  }
0x77: {  	_ =	shalt  }
0x78: {  	_ =	shalt  }
0x79: {  	_ =	shalt  }
0x7a: {  	_ =	shalt  }
0x7b: {  	_ =	shalt  }
0x7c: {  	_ =	shalt  }
0x7d: {  	_ =	shalt  }
0x7e: {  	_ =	shalt  }
0x7f: {  	_ =	shalt  }
0x80: {  	_ =	shalt  }
0x81: {  	_ =	shalt  }
0x82: {  	_ =	shalt  }
0x83: {  	_ =	shalt  }
0x84: {  	_ =	shalt  }
0x85: {  	_ =	shalt  }
0x86: {  	_ =	shalt  }
0x87: {  	_ =	shalt  }
.Lfunc_end0:
.L_simem_size_0:
called_computation_lowered:
.L_overlay_start_0:
0x88: {  	s2 =	sld [smem:$0x3FD9]  }
0x89: {  	s3 =	sld [smem:$0x3FFE];
	_ =	sdelay $0x1  }
0x8a: {  	s1 =	srdreg.scid  }
0x8b: {  	s0 =	sand.u32 $0x1, s1  }
0x8c: {  	s17 =	sshll.u32 s0, $0xA;
	s2 =	sadd.s32 s3, s2  }
0x8d: {  	s2 =	sadd.s32 s2, s17  }
0x8e: {  	[smem:$0x3FC4] =	sst s2  }
0x8f: {  	_ = 	snop  }
0x90: {  	s2 =	sld [smem:$0x3FC8]  }
0x91: {  	s18 =	sld [smem:$0x3FC6];
	(tm) =	ssettm $0x1  }
0x92: {  	s4 =	sld [smem:$0x3FFB];
	_ =	sdelay $0x3  }
0x93: {  	_ =	strace s4  }
0x94: {  	s4 =	sld [smem:$0x3FFC];
	_ =	sdelay $0x3  }
0x95: {  	_ =	strace s4  }
0x96: {  	s4 =	sld [smem:$0x3FFD];
	_ =	sdelay $0x3  }
0x97: {  	_ =	strace s4  }
0x98: {  	_ =	strace $0x8FFFFFFF  }
0x99: {  	s19 =	sld [smem:$0x3FDB];
	_ =	sdelay $0x1  }
0x9a: {  	s5 =	simm.s32 $_scs_section_size  }
0x9b: {  	s6 =	simm.s32 $_size__tile_overlayer_lowered;
	s7 =	simm.s32 $_tile_overlayer_lowered  }
0x9c: {  	s22 =	simm.s32 $0x1BFF;
	s21 =	sshll.u32 s7, $0x1;
	s4 =	sadd.s32 s5, s19  }
0x9d: {  	s8 =	simm.s32 $0x0;
	s20 =	sshll.u32 s6, $0x1;
	s6 =	sadd.s32 s21, s4  }
0x9e: {  	[timem:s8], [sflag:s22] =	dma.local [hbm:s6], s20  }
0x9f: {  	_ =	swait.ge [sflag:s22], s20  }
0xa0: {  	s5 =	ssub.s32 $0x0, s20;
	[sflag:s22] =	ssyncset.done $0x0  }
0xa1: {  	[sflag:s22] =	ssyncadd.s32 s5;
	_ =	sdelay $0x1  }
0xa2: {  	s23 =	simm.s32 $0x1B8B  }
0xa3: {  	_ =	swait.ge [sflag:s23], $0x1  }
0xa4: {  	[sflag:s23] =	ssyncset.done $0x0  }
0xa5: {  	s25 =	simm.s32 $0x1B8E;
	s24 =	sld [smem:$0x3FFE];
	[sflag:s23] =	ssyncadd.s32 $0xFFFFFFFF  }
0xa6: {  	s26 =	simm.s32 $execute0_lowered;
	[smem:$0x3FD2] =	sst s25  }
0xa7: {  	s6 =	sshll.u32 s26, $0x1;
	_ =	strace $0x80000046;
	[dreg:$0x1] =	wrdreg $0xFFFFFFFF  }
0xa8: {  	s28 =	simm.s32 $_size_execute0_lowered;
	s4 =	sadd.s32 s4, s6;
	[dreg:$0x0] =	wrdreg $0x0  }
0xa9: {  	s6 =	sshll.u32 s28, $0x1;
	[dreg:$0x2] =	wrdreg s4  }
0xaa: {  	[dreg:$0x3] =	wrdreg s6  }
0xab: {  	[dreg:$0x4] =	wrdreg $0xC0  }
0xac: {  	_ =	task [dreg:s8], $0x5FFFF  }
0xad: {  	[dreg:$0x1] =	wrdreg $0xFFFFFFFF  }
0xae: {  	[dreg:$0x0] =	wrdreg $0x60  }
0xaf: {  	[dreg:$0x2] =	wrdreg s2  }
0xb0: {  	[dreg:$0x3] =	wrdreg s18  }
0xb1: {  	[dreg:$0x4] =	wrdreg s24  }
0xb2: {  	[dreg:$0x5] =	wrdreg $0x9  }
0xb3: {  	_ =	task.clear_ibuf [dreg:s8], $0x6FFFF;
	_ =	strace $0x90000046  }
0xb4: {  	s29 =	simm.s32 $0x9;
	_ =	strace $0x80000048  }
0xb5: {  	_ =	swait.ge [sflag:s29], $0x1  }
0xb6: {  	[sflag:s29] =	ssyncadd.s32 $0xFFFFFFFF  }
0xb7: {  	_ =	strace $0x90000048  }
0xb8: {  	_ =	sfence  }
0xb9: {  	s30 =	sld [smem:$0x0];
	_ =	sdelay $0x2  }
0xba: {  	s31 =	sshll.u32 s1, $0xD;
	s1 =	sshrl.u32 s1, $0x2  }
0xbb: {  	s3 =	sand.u32 $0x4000, s31;
	s1 =	sadd.s32 s1, s30  }
0xbc: {  	s0 =	sor.u32 s3, s0;
	s1 =	sshll.u32 s1, $0x11  }
0xbd: {  	s0 =	sor.u32 s1, s0  }
0xbe: {  	s0 =	sadd.s32 $0x8F2B, s0  }
0xbf: {  	[sflag:s0] =	ssyncadd.remote.s32 $0x1  }
0xc0: {  	_ =	sfence.sel $0xFFFF  }
0xc1: {  	[dreg:$0x0] =	wrdreg $0xFFFFFFFF;
	(pc) =	sbr.abs _section_cstart, $3  }
0xc2: {  	[dreg:$0x1] =	wrdreg $0xFFFFFFFF  }
0xc3: {  	_ =	task.clear_ibuf [dreg:s8], $0x2FFFF;
	_ =	strace $0x9FFFFFFF  }
0xc4: {  	(tm) =	ssettm $0x7FFFFFFF  }
0xc5: {  	_ =	shalt  }
tec
execute0_lowered:
.L_overlay_start_1:
0x0: {  	(tag) =	ssettag $0x1  }
0x1: {  	s6 =	rddreg [dreg:$0x0]  }
0x2: {  	s2 =	rddreg [dreg:$0x1]  }
0x3: {  	s1 =	srdreg.scid;
	s0 =	stileid.u32  }
0x4: {  	s7 =	rddreg [dreg:$0x2];
	s4 =	sand.u32 $0x1, s1;
	s5 =	sshll.u32 s0, $0x1  }
0x5: {  	s3 =	simm.s32 $0x0;
	s10 =	simm.s32 $0x1;
	s11 =	sor.u32 s4, s5  }
0x6: {  	s12 =	simm.s32 $0x0;
	s1 =	rddreg [dreg:$0x3];
	s5 =	smul.u32 $0x7A0, s11  }
.Ltmp0:
0x7: {  	[smem:$0x7FF] =	sst s3;
	s4 =	ssub.s32 $0x2, s4;
	(pc) =	sbr.rel .LBB2_1-.Ltmp0, $4  }
0x8: {  	_ =	strace $0x80000047;
	s8 =	sshrl.u32 s4, $0x1;
	p0 =	sne.s32 s11, $0x0  }
0x9: {  	s11 =	simm.s32 $0x3D00;
	s8 =	ssub.s32 s4, s8;
	s9 =	sadd.s32 s5, s7  }
0xa: {  	s4 =	sadd.s32 s6, s5;
	s6 =	sadd.s32 $0xF400, s6;
	s7 =	sadd.s32 $0xFC00, s7  }
0xb: {  	s8 =	smax.u32 s8, $0x1;
	s5 =	sadd.s32 $0x800, s9;
	s9 =	simm.s32 $0x7A00  }
.LBB2_8:
0xc: {  	s12 =	sadd.s32 $0x1, s12  }
0xd: {  	p1 =	sne.s32 s12, s8  }
.Ltmp1:
0xe: {  	_ = 	snop;
	(pc) =	sbr.rel @!p1 .LBB2_9-.Ltmp1, $1  }
0xf: {  	_ =	sdelay $0x3  }
.LBB2_1:
0x10: {  	[tilespmem:s9], [sflag:$0x1] =	stream.linear.gather [hbm4b:s2+s3], $0x80, $0x38;
	[tilespmem:$0x7A80] =	vst v63  }
0x11: {  	_ =	swait.ge [sflag:s10], $0x80  }
0x12: {  	[sflag:s10] =	ssyncset.done $0x0  }
0x13: {  	[sflag:s10] =	ssyncadd.s32 $0xFFFFFF80  }
0x14: {  	[tilespmem:s3], [sflag:$0x1] =	stream.linear.gather [hbm4b:s4+s3], $0x3D00, $0x38;
	[tilespmem:$0x7A80] =	vst v63  }
0x15: {  	_ =	swait.ge [sflag:s10], $0x3D00  }
0x16: {  	[sflag:s10] =	ssyncset.done $0x0  }
0x17: {  	s13 =	simm.s32 $0x40;
	[sflag:s10] =	ssyncadd.s32 $0xFFFFC300  }
0x18: {  	v0 =	vld [tilespmem:s13+$0x30]  }
0x19: {  	v1 =	vld [tilespmem:s13+$0xFFFFFFD0]  }
0x1a: {  	v2 =	vld [tilespmem:s13+$0xFFFFFFE0]  }
0x1b: {  	v3 =	vld [tilespmem:s13+$0xFFFFFFF0]  }
0x1c: {  	v4 =	vld [tilespmem:s13+$0x0]  }
0x1d: {  	v6 =	vld [tilespmem:s13+$0x10]  }
0x1e: {  	v7 =	vld [tilespmem:s13+$0x20]  }
0x1f: {  	v8 =	vld [tilespmem:s13+$0xFFFFFFC0]  }
0x20: {  	v9 =	vld.idx.msk [tilespmem:v0+s9+$0x0], $0xffff  }
0x21: {  	v10 =	vld.idx.msk [tilespmem:v1+s9+$0x0], $0xffff  }
0x22: {  	v5 =	vld.idx.msk [tilespmem:v2+s9+$0x0], $0xffff  }
0x23: {  	v3 =	vld.idx.msk [tilespmem:v3+s9+$0x0], $0xffff  }
0x24: {  	v0 =	vld.idx.msk [tilespmem:v4+s9+$0x0], $0xffff  }
0x25: {  	s13 =	simm.s32 $0x3D40;
	v1 =	vld.idx.msk [tilespmem:v6+s9+$0x0], $0xffff  }
0x26: {  	v2 =	vld.idx.msk [tilespmem:v7+s9+$0x0], $0xffff;
	[tilespmem:s13+$0x30] =	vst v9  }
0x27: {  	s14 =	simm.s32 $0x0;
	s15 =	simm.s32 $0xC0;
	v4 =	vld.idx.msk [tilespmem:v8+s9+$0x0], $0xffff;
	[tilespmem:s13+$0xFFFFFFD0] =	vst v10  }
.LBB2_2:
0x28: {  	v6 =	vld [tilespmem:s15+$0x30];
	s14 =	sadd.s32 $0x8, s14;
	[tilespmem:s13+$0xFFFFFFE0] =	vst v5  }
0x29: {  	v5 =	vld [tilespmem:s15+$0xFFFFFFD0];
	p1 =	slt.u32 s14, $0x3C8;
	[tilespmem:s13+$0xFFFFFFF0] =	vst v3  }
0x2a: {  	v3 =	vld [tilespmem:s15+$0xFFFFFFE0];
	[tilespmem:s13+$0x0] =	vst v0  }
0x2b: {  	v0 =	vld [tilespmem:s15+$0xFFFFFFF0];
	[tilespmem:s13+$0x10] =	vst v1  }
0x2c: {  	v1 =	vld [tilespmem:s15+$0x0];
	[tilespmem:s13+$0x20] =	vst v2  }
0x2d: {  	v2 =	vld [tilespmem:s15+$0x10];
	[tilespmem:s13+$0xFFFFFFC0] =	vst v4  }
0x2e: {  	v4 =	vld [tilespmem:s15+$0x20]  }
0x2f: {  	v7 =	vld [tilespmem:s15+$0xFFFFFFC0]  }
0x30: {  	v6 =	vld.idx.msk [tilespmem:v6+s9+$0x0], $0xffff  }
0x31: {  	v8 =	vld.idx.msk [tilespmem:v5+s9+$0x0], $0xffff  }
0x32: {  	v5 =	vld.idx.msk [tilespmem:v3+s9+$0x0], $0xffff  }
.Ltmp2:
0x33: {  	v3 =	vld.idx.msk [tilespmem:v0+s9+$0x0], $0xffff;
	(pc) =	sbr.rel @p1 .LBB2_2-.Ltmp2, $4  }
0x34: {  	v0 =	vld.idx.msk [tilespmem:v1+s9+$0x0], $0xffff  }
0x35: {  	s13 =	sadd.s32 $0x80, s13;
	v1 =	vld.idx.msk [tilespmem:v2+s9+$0x0], $0xffff  }
0x36: {  	v2 =	vld.idx.msk [tilespmem:v4+s9+$0x0], $0xffff;
	[tilespmem:s13+$0x30] =	vst v6  }
0x37: {  	s15 =	sadd.s32 $0x80, s15;
	v4 =	vld.idx.msk [tilespmem:v7+s9+$0x0], $0xffff;
	[tilespmem:s13+$0xFFFFFFD0] =	vst v8  }
0x38: {  	[tilespmem:s13+$0xFFFFFFE0] =	vst v5  }
0x39: {  	[tilespmem:s13+$0xFFFFFFF0] =	vst v3  }
0x3a: {  	[tilespmem:s13+$0x0] =	vst v0  }
0x3b: {  	[tilespmem:s13+$0x10] =	vst v1  }
0x3c: {  	[tilespmem:s13+$0x20] =	vst v2  }
.Ltmp3:
0x3d: {  	[tilespmem:s13+$0xFFFFFFC0] =	vst v4;
	(pc) =	sbr.rel @p0 .LBB2_8-.Ltmp3, $4  }
0x3e: {  	[hbm4b:s5+s3] =	stream.linear.scatter [tilespmem:s11], [sflag:$0x1], $0x3D00, $0x38;
	[tilespmem:$0x7A80] =	vst v63  }
0x3f: {  	_ =	swait.ge [sflag:s10], $0x3D00  }
0x40: {  	[sflag:s10] =	ssyncset.done $0x0  }
0x41: {  	[sflag:s10] =	ssyncadd.s32 $0xFFFFC300  }
0x42: {  	s13 =	simm.s32 $0x0  }
0x43: {  	[tilespmem:s13], [sflag:$0x1] =	stream.linear.gather [hbm4b:s6+s13], $0x120, $0x38;
	[tilespmem:$0x7A80] =	vst v63  }
0x44: {  	_ =	swait.ge [sflag:s10], $0x120  }
0x45: {  	[sflag:s10] =	ssyncset.done $0x0  }
0x46: {  	p1 =	por $0x1, $0x1;
	s14 =	simm.s32 $0x0;
	[sflag:s10] =	ssyncadd.s32 $0xFFFFFEE0  }
.LBB2_5:
0x47: {  	v0 =	vld [tilespmem:s14+$0x0];
	s15 =	sor.u32 $0x10, s14  }
0x48: {  	s25 =	sor.u32 $0x20, s14;
	v1 =	vld [tilespmem:s15+$0x0]  }
0x49: {  	s26 =	sor.u32 $0x30, s14;
	v2 =	vld [tilespmem:s25+$0x0]  }
0x4a: {  	s28 =	sor.u32 $0x40, s14;
	v3 =	vld [tilespmem:s26+$0x0]  }
0x4b: {  	s29 =	sor.u32 $0x50, s14;
	v4 =	vld [tilespmem:s28+$0x0]  }
0x4c: {  	s30 =	sor.u32 $0x60, s14;
	v5 =	vld [tilespmem:s29+$0x0]  }
0x4d: {  	s31 =	sor.u32 $0x70, s14;
	v6 =	vld [tilespmem:s30+$0x0]  }
0x4e: {  	v7 =	vld [tilespmem:s31+$0x0]  }
0x4f: {  	v0 =	vld.idx.msk [tilespmem:v0+s9+$0x0], $0xffff  }
0x50: {  	v1 =	vld.idx.msk [tilespmem:v1+s9+$0x0], $0xffff  }
0x51: {  	v2 =	vld.idx.msk [tilespmem:v2+s9+$0x0], $0xffff  }
0x52: {  	v3 =	vld.idx.msk [tilespmem:v3+s9+$0x0], $0xffff  }
0x53: {  	v4 =	vld.idx.msk [tilespmem:v4+s9+$0x0], $0xffff  }
0x54: {  	v61 =	vld.idx.msk [tilespmem:v5+s9+$0x0], $0xffff;
	[tilespmem:s14+$0x3D00] =	vst v0  }
0x55: {  	v62 =	vld.idx.msk [tilespmem:v6+s9+$0x0], $0xffff;
	[tilespmem:s14+$0x3D10] =	vst v1  }
0x56: {  	p2 =	por p1, p1;
	v63 =	vld.idx.msk [tilespmem:v7+s9+$0x0], $0xffff;
	[tilespmem:s14+$0x3D20] =	vst v2  }
.Ltmp4:
0x57: {  	[tilespmem:s14+$0x3D30] =	vst v3;
	(pc) =	sbr.rel @p2 .LBB2_5-.Ltmp4, $4  }
0x58: {  	[tilespmem:s14+$0x3D40] =	vst v4  }
0x59: {  	[tilespmem:s14+$0x3D50] =	vst v61  }
0x5a: {  	[tilespmem:s14+$0x3D60] =	vst v62  }
0x5b: {  	p1 =	por $0x0, $0x0;
	[tilespmem:s14+$0x3D70] =	vst v63;
	s14 =	simm.s32 $0x80  }
.LBB2_6:
0x5c: {  	s14 =	sshra.s32 s13, $0x2  }
0x5d: {  	v0 =	vld [tilespmem:s14+$0x100];
	_ =	sdelay $0x7  }
0x5e: {  	p1 =	sne.s32 s13, $0x40;
	v0 =	vld.idx.msk [tilespmem:v0+s9+$0x0], $0xffff  }
.Ltmp5:
0x5f: {  	_ = 	snop;
	(pc) =	sbr.rel @p1 .LBB2_6-.Ltmp5, $2  }
0x60: {  	_ =	sdelay $0x2  }
0x61: {  	s13 =	sadd.s32 $0x40, s13;
	[tilespmem:s14+$0x3E00] =	vst v0  }
.Ltmp6:
0x62: {  	(pc) =	sbr.rel .LBB2_8-.Ltmp6, $4  }
0x63: {  	[hbm4b:s7+s3] =	stream.linear.scatter [tilespmem:s11], [sflag:$0x1], $0x120, $0x38;
	[tilespmem:$0x7A80] =	vst v63  }
0x64: {  	_ =	swait.ge [sflag:s10], $0x120  }
0x65: {  	[sflag:s10] =	ssyncset.done $0x0  }
0x66: {  	[sflag:s10] =	ssyncadd.s32 $0xFFFFFEE0  }
.LBB2_9:
0x67: {  	_ =	sfence.sel $0x180000  }
0x68: {  	[bflag:$0x0] =	sbarrier.arrive $0xFFFF  }
0x69: {  	p0 =	sne.s32 s0, $0x0;
	_ =	strace $0x90000047  }
0x6a: {  	s0 =	sadd.s32 @!p0 $0x100000, s1;
	[bflag:$0x2] =	sbarrier.arrive $0xFFFF  }
0x6b: {  	[sflag:s0] =	ssyncadd.tile.s32 @!p0 $0x1;
	_ =	shalt  }
.Lfunc_end2:
_tile_overlayer_lowered:
.L_overlay_start_2:
0x6c: {  	(tag) =	ssettag $0x2  }
0x6d: {  	s0 =	rddreg [dreg:$0x0];
	s2 =	stileid.u32  }
0x6e: {  	s1 =	rddreg [dreg:$0x1];
	p0 =	sne.s32 s2, $0x0  }
0x6f: {  	s3 =	rddreg [dreg:$0x2];
	[bflag:$0x3] =	sbarrier.arrive $0xFFFF;
	s2 =	simm.s32 @!p0 $0x1C01  }
0x70: {  	[timem:s3], [sflag:s2] =	dma.local @!p0 [hbm:s0], s1  }
0x71: {  	s0 =	simm.s32 @!p0 $0x1  }
0x72: {  	_ =	swait.ge @!p0 [sflag:s0], s1  }
0x73: {  	s1 =	ssub.s32 @!p0 $0x0, s1;
	[sflag:s0] =	ssyncset.done @!p0 $0x0  }
0x74: {  	[sflag:s0] =	ssyncadd.s32 @!p0 s1  }
0x75: {  	[bflag:$0x3] =	sbarrier.arrive $0xFFFF  }
0x76: {  	_ =	shalt  }

</sc_bundles>
